<compile_context>
chip_gen: v7x
topology: tpu7x:2x2x1
jax: 0.10.2.dev20260603
libtpu: 0.0.44.dev20260713+nightly
codegen_flags: <defaults>
</compile_context>

<pallas_src>
import functools

import jax
import jax.numpy as jnp
from jax import lax
from jax.experimental import pallas as pl
from jax.experimental.pallas import tpu as pltpu
from jax.experimental.pallas import tpu_sc as plsc

N = 4096
C = 100000
L = 16
NC = 2
NS = 16
NW = NC * NS
BW = N // NW
NG = BW // L
NROWS = N * C // 128


def _sc_body(phy_hbm, tgt_hbm, rew_hbm, part_hbm,
             tgt_v, rew_v, idx_v, vals_v, acc_v, sem_in, sem):
    cid = lax.axis_index("c")
    sid = lax.axis_index("s")
    wid = cid * NS + sid
    base = wid * BW

    cp_t = pltpu.async_copy(tgt_hbm.at[pl.ds(base, BW)], tgt_v, sem_in)
    cp_r = pltpu.async_copy(rew_hbm.at[pl.ds(base, BW)], rew_v, sem_in)
    cp_t.wait()

    lane = lax.iota(jnp.int32, L)

    for q in range(NG):
        t = tgt_v[pl.ds(q * L, L)]
        idx_v[q // 4, pl.ds((q % 4) * L, L)] = (
            lax.div(t, 8) * 32768 + wid * 1024 + lax.rem(t, 8) * 128
            + q * L + lane)

    cp0 = pltpu.async_copy(phy_hbm.at[idx_v.at[0]], vals_v.at[0], sem)
    cp1 = pltpu.async_copy(phy_hbm.at[idx_v.at[1]], vals_v.at[1], sem)
    cp_r.wait()

    acc = jnp.zeros((L,), jnp.float32)
    cp0.wait()
    for q in range(NG):
        if q == NG // 2:
            cp1.wait()
        acc = acc - (vals_v[q // 4, pl.ds((q % 4) * L, L)]
                     * rew_v[pl.ds(q * L, L)])
    acc_v[...] = acc
    pltpu.sync_copy(acc_v, part_hbm.at[wid])


@jax.jit
def _sc_loss(phy, target, reward):
    mesh = plsc.VectorSubcoreMesh(core_axis_name="c", subcore_axis_name="s")
    f = functools.partial(
        pl.kernel,
        out_type=jax.ShapeDtypeStruct((NW, L), jnp.float32),
        mesh=mesh,
        compiler_params=pltpu.CompilerParams(skip_device_barrier=True),
        scratch_types=[
            pltpu.VMEM((BW,), jnp.int32),
            pltpu.VMEM((BW,), jnp.float32),
            pltpu.VMEM((2, BW // 2), jnp.int32),
            pltpu.VMEM((2, BW // 2), jnp.float32),
            pltpu.VMEM((L,), jnp.float32),
            pltpu.SemaphoreType.DMA,
            pltpu.SemaphoreType.DMA,
        ],
    )(_sc_body)
    return f(phy, target, reward)


def kernel(prob, target, reward):
    phy = (prob.T.reshape(C // 8, 8, N // 128, 128)
           .transpose(0, 2, 1, 3).reshape(N * C))
    part = _sc_loss(phy, target, reward)
    return jnp.sum(part)

# --- scband reference (transcript-rebuilt; emitter-appended) ---
"""Pipeline reference for scband-ganloss-62070867362245 (READ-ONLY COPY).

The authoritative reference and input builder live on the scoring server;
editing this copy changes nothing except your own understanding.
"""

import jax, jax.numpy as jnp
import numpy as np

N = 4096
C = 100000

def setup_inputs(seed: int = 0) -> dict:
    key = jax.random.key(seed)
    k1, k2, k3 = jax.random.split(key, 3)
    prob = jax.random.normal(k1, (N, C), dtype=jnp.float32)
    target = jax.random.randint(k2, (N,), 0, C, dtype=jnp.int32)
    reward = jax.random.uniform(k3, (N,), dtype=jnp.float32)
    return {"prob": prob, "target": target, "reward": reward}

def reference(prob, target, reward):
    # one_hot scatter + masked_select is equivalent to gathering prob[i, target[i]]
    # (masked_select iterates row-major, one True per row at column target[i])
    sel = jnp.take_along_axis(prob, target[:, None], axis=1)[:, 0]
    loss = sel * reward
    loss = -jnp.sum(loss)
    return loss

if __name__ == "__main__":
    import jax
    _d = setup_inputs()
    print(jax.jit(kernel)(*tuple(_d.values())))

</pallas_src>

<mosaic_0001>
#map = affine_map<(d0, d1) -> (0)>
#map1 = affine_map<(d0, d1) -> (0, 0)>
module attributes {stable_mosaic.version = 14 : i64} {
  func.func @_sc_body(%arg0: i32, %arg1: i32, %arg2: memref<409600000xf32, #tpu.memory_space<hbm>>, %arg3: memref<4096xi32, #tpu.memory_space<hbm>>, %arg4: memref<4096xf32, #tpu.memory_space<hbm>>, %arg5: memref<32x16xf32, #tpu.memory_space<hbm>>, %arg6: memref<128xi32, #tpu.memory_space<vmem>>, %arg7: memref<128xf32, #tpu.memory_space<vmem>>, %arg8: memref<2x64xi32, #tpu.memory_space<vmem>>, %arg9: memref<2x64xf32, #tpu.memory_space<vmem>>, %arg10: memref<16xf32, #tpu.memory_space<vmem>>, %arg11: memref<!tpu.dma_semaphore, #tpu.memory_space<semaphore_mem>>, %arg12: memref<!tpu.dma_semaphore, #tpu.memory_space<semaphore_mem>>) attributes {dimension_semantics = [#tpu.dimension_semantics<core_parallel>, #tpu.dimension_semantics<subcore_parallel>], iteration_bounds = array<i64: 2, 16>, scalar_prefetch = 0 : i64, scratch_operands = 7 : i64, tpu.core_type = #tpu.core_type<sc_vector_subcore>, window_params = [{transform_indices = #map}, {transform_indices = #map}, {transform_indices = #map}, {transform_indices = #map1}]} {
    %mul3A = arith.constant 16 : i32
    %mul3A_0 = arith.muli %arg0, %mul3A : i32
    %add3A = arith.addi %mul3A_0, %arg1 : i32
    %mul3A_1 = arith.constant 128 : i32
    %mul3A_2 = arith.muli %add3A, %mul3A_1 : i32
    %dma_start3A = tpu.memref_slice %arg3[%mul3A_2] : memref<4096xi32, #tpu.memory_space<hbm>> -> memref<128xi32, #tpu.memory_space<hbm>>
    %dma_start3A_3 = tpu.memref_slice %arg3[%mul3A_2] : memref<4096xi32, #tpu.memory_space<hbm>> -> memref<128xi32, #tpu.memory_space<hbm>>
    tpu.enqueue_dma source(%dma_start3A_3 : memref<128xi32, #tpu.memory_space<hbm>>) target(%arg6 : memref<128xi32, #tpu.memory_space<vmem>>) target_semaphore(%arg11 : memref<!tpu.dma_semaphore, #tpu.memory_space<semaphore_mem>>)
    %dma_start3A_4 = tpu.memref_slice %arg4[%mul3A_2] : memref<4096xf32, #tpu.memory_space<hbm>> -> memref<128xf32, #tpu.memory_space<hbm>>
    %dma_start3A_5 = tpu.memref_slice %arg4[%mul3A_2] : memref<4096xf32, #tpu.memory_space<hbm>> -> memref<128xf32, #tpu.memory_space<hbm>>
    tpu.enqueue_dma source(%dma_start3A_5 : memref<128xf32, #tpu.memory_space<hbm>>) target(%arg7 : memref<128xf32, #tpu.memory_space<vmem>>) target_semaphore(%arg11 : memref<!tpu.dma_semaphore, #tpu.memory_space<semaphore_mem>>)
    %dma_wait3A = tpu.memref_slice %arg3[%mul3A_2] : memref<4096xi32, #tpu.memory_space<hbm>> -> memref<128xi32, #tpu.memory_space<hbm>>
    %dma_wait3A_6 = tpu.memref_slice %arg3[%mul3A_2] : memref<4096xi32, #tpu.memory_space<hbm>> -> memref<128xi32, #tpu.memory_space<hbm>>
    tpu.wait_dma2 semaphore(%arg11 : memref<!tpu.dma_semaphore, #tpu.memory_space<semaphore_mem>>) src(%dma_wait3A_6 : memref<128xi32, #tpu.memory_space<hbm>>) dst(%arg6 : memref<128xi32, #tpu.memory_space<vmem>>)
    %iota3A = tpu.iota {dimensions = array<i32: 0>} : vector<16xi32>
    %get3A = arith.constant 0 : index
    %get3A_7 = tpu.vector_load %arg6[%get3A] {strides = array<i32>} : memref<128xi32, #tpu.memory_space<vmem>>, vector<16xi32>,
    %get3A_8 = vector.shape_cast %get3A_7 : vector<16xi32> to vector<16xi32>
    %div3A = arith.constant 8 : i32
    %div3A_9 = vector.broadcast %div3A : i32 to vector<16xi32>
    %div3A_10 = arith.divsi %get3A_8, %div3A_9 : vector<16xi32>
    %mul3A_11 = arith.constant 32768 : i32
    %mul3A_12 = vector.broadcast %mul3A_11 : i32 to vector<16xi32>
    %mul3A_13 = arith.muli %div3A_10, %mul3A_12 : vector<16xi32>
    %mul3A_14 = arith.constant 1024 : i32
    %mul3A_15 = arith.muli %add3A, %mul3A_14 : i32
    %add3A_16 = vector.broadcast %mul3A_15 : i32 to vector<16xi32>
    %add3A_17 = arith.addi %mul3A_13, %add3A_16 : vector<16xi32>
    %rem3A = arith.constant 8 : i32
    %rem3A_18 = vector.broadcast %rem3A : i32 to vector<16xi32>
    %rem3A_19 = arith.remsi %get3A_8, %rem3A_18 : vector<16xi32>
    %mul3A_20 = arith.constant 128 : i32
    %mul3A_21 = vector.broadcast %mul3A_20 : i32 to vector<16xi32>
    %mul3A_22 = arith.muli %rem3A_19, %mul3A_21 : vector<16xi32>
    %add3A_23 = arith.addi %add3A_17, %mul3A_22 : vector<16xi32>
    %add3A_24 = arith.constant 0 : i32
    %add3A_25 = vector.broadcast %add3A_24 : i32 to vector<16xi32>
    %add3A_26 = arith.addi %add3A_23, %add3A_25 : vector<16xi32>
    %add3A_27 = arith.addi %add3A_26, %iota3A : vector<16xi32>
    %swap3A = arith.constant 0 : i32
    %swap3A_28 = arith.index_cast %swap3A : i32 to index
    %swap3A_29 = arith.constant 0 : index
    %swap3A_30 = tpu.vector_load %arg8[%swap3A_28, %swap3A_29] {strides = array<i32>} : memref<2x64xi32, #tpu.memory_space<vmem>>, vector<1x16xi32>,
    %swap3A_31 = vector.shape_cast %swap3A_30 : vector<1x16xi32> to vector<16xi32>
    %swap3A_32 = vector.shape_cast %add3A_27 : vector<16xi32> to vector<1x16xi32>
    tpu.vector_store %arg8[%swap3A_28, %swap3A_29], %swap3A_32 {strides = array<i32>} : memref<2x64xi32, #tpu.memory_space<vmem>>, vector<1x16xi32>,
    %get3A_33 = arith.constant 16 : index
    %get3A_34 = tpu.vector_load %arg6[%get3A_33] {strides = array<i32>} : memref<128xi32, #tpu.memory_space<vmem>>, vector<16xi32>,
    %get3A_35 = vector.shape_cast %get3A_34 : vector<16xi32> to vector<16xi32>
    %div3A_36 = arith.constant 8 : i32
    %div3A_37 = vector.broadcast %div3A_36 : i32 to vector<16xi32>
    %div3A_38 = arith.divsi %get3A_35, %div3A_37 : vector<16xi32>
    %mul3A_39 = arith.constant 32768 : i32
    %mul3A_40 = vector.broadcast %mul3A_39 : i32 to vector<16xi32>
    %mul3A_41 = arith.muli %div3A_38, %mul3A_40 : vector<16xi32>
    %mul3A_42 = arith.constant 1024 : i32
    %mul3A_43 = arith.muli %add3A, %mul3A_42 : i32
    %add3A_44 = vector.broadcast %mul3A_43 : i32 to vector<16xi32>
    %add3A_45 = arith.addi %mul3A_41, %add3A_44 : vector<16xi32>
    %rem3A_46 = arith.constant 8 : i32
    %rem3A_47 = vector.broadcast %rem3A_46 : i32 to vector<16xi32>
    %rem3A_48 = arith.remsi %get3A_35, %rem3A_47 : vector<16xi32>
    %mul3A_49 = arith.constant 128 : i32
    %mul3A_50 = vector.broadcast %mul3A_49 : i32 to vector<16xi32>
    %mul3A_51 = arith.muli %rem3A_48, %mul3A_50 : vector<16xi32>
    %add3A_52 = arith.addi %add3A_45, %mul3A_51 : vector<16xi32>
    %add3A_53 = arith.constant 16 : i32
    %add3A_54 = vector.broadcast %add3A_53 : i32 to vector<16xi32>
    %add3A_55 = arith.addi %add3A_52, %add3A_54 : vector<16xi32>
    %add3A_56 = arith.addi %add3A_55, %iota3A : vector<16xi32>
    %swap3A_57 = arith.constant 0 : i32
    %swap3A_58 = arith.index_cast %swap3A_57 : i32 to index
    %swap3A_59 = arith.constant 16 : index
    %swap3A_60 = tpu.vector_load %arg8[%swap3A_58, %swap3A_59] {strides = array<i32>} : memref<2x64xi32, #tpu.memory_space<vmem>>, vector<1x16xi32>,
    %swap3A_61 = vector.shape_cast %swap3A_60 : vector<1x16xi32> to vector<16xi32>
    %swap3A_62 = vector.shape_cast %add3A_56 : vector<16xi32> to vector<1x16xi32>
    tpu.vector_store %arg8[%swap3A_58, %swap3A_59], %swap3A_62 {strides = array<i32>} : memref<2x64xi32, #tpu.memory_space<vmem>>, vector<1x16xi32>,
    %get3A_63 = arith.constant 32 : index
    %get3A_64 = tpu.vector_load %arg6[%get3A_63] {strides = array<i32>} : memref<128xi32, #tpu.memory_space<vmem>>, vector<16xi32>,
    %get3A_65 = vector.shape_cast %get3A_64 : vector<16xi32> to vector<16xi32>
    %div3A_66 = arith.constant 8 : i32
    %div3A_67 = vector.broadcast %div3A_66 : i32 to vector<16xi32>
    %div3A_68 = arith.divsi %get3A_65, %div3A_67 : vector<16xi32>
    %mul3A_69 = arith.constant 32768 : i32
    %mul3A_70 = vector.broadcast %mul3A_69 : i32 to vector<16xi32>
    %mul3A_71 = arith.muli %div3A_68, %mul3A_70 : vector<16xi32>
    %mul3A_72 = arith.constant 1024 : i32
    %mul3A_73 = arith.muli %add3A, %mul3A_72 : i32
    %add3A_74 = vector.broadcast %mul3A_73 : i32 to vector<16xi32>
    %add3A_75 = arith.addi %mul3A_71, %add3A_74 : vector<16xi32>
    %rem3A_76 = arith.constant 8 : i32
    %rem3A_77 = vector.broadcast %rem3A_76 : i32 to vector<16xi32>
    %rem3A_78 = arith.remsi %get3A_65, %rem3A_77 : vector<16xi32>
    %mul3A_79 = arith.constant 128 : i32
    %mul3A_80 = vector.broadcast %mul3A_79 : i32 to vector<16xi32>
    %mul3A_81 = arith.muli %rem3A_78, %mul3A_80 : vector<16xi32>
    %add3A_82 = arith.addi %add3A_75, %mul3A_81 : vector<16xi32>
    %add3A_83 = arith.constant 32 : i32
    %add3A_84 = vector.broadcast %add3A_83 : i32 to vector<16xi32>
    %add3A_85 = arith.addi %add3A_82, %add3A_84 : vector<16xi32>
    %add3A_86 = arith.addi %add3A_85, %iota3A : vector<16xi32>
    %swap3A_87 = arith.constant 0 : i32
    %swap3A_88 = arith.index_cast %swap3A_87 : i32 to index
    %swap3A_89 = arith.constant 32 : index
    %swap3A_90 = tpu.vector_load %arg8[%swap3A_88, %swap3A_89] {strides = array<i32>} : memref<2x64xi32, #tpu.memory_space<vmem>>, vector<1x16xi32>,
    %swap3A_91 = vector.shape_cast %swap3A_90 : vector<1x16xi32> to vector<16xi32>
    %swap3A_92 = vector.shape_cast %add3A_86 : vector<16xi32> to vector<1x16xi32>
    tpu.vector_store %arg8[%swap3A_88, %swap3A_89], %swap3A_92 {strides = array<i32>} : memref<2x64xi32, #tpu.memory_space<vmem>>, vector<1x16xi32>,
    %get3A_93 = arith.constant 48 : index
    %get3A_94 = tpu.vector_load %arg6[%get3A_93] {strides = array<i32>} : memref<128xi32, #tpu.memory_space<vmem>>, vector<16xi32>,
    %get3A_95 = vector.shape_cast %get3A_94 : vector<16xi32> to vector<16xi32>
    %div3A_96 = arith.constant 8 : i32
    %div3A_97 = vector.broadcast %div3A_96 : i32 to vector<16xi32>
    %div3A_98 = arith.divsi %get3A_95, %div3A_97 : vector<16xi32>
    %mul3A_99 = arith.constant 32768 : i32
    %mul3A_100 = vector.broadcast %mul3A_99 : i32 to vector<16xi32>
    %mul3A_101 = arith.muli %div3A_98, %mul3A_100 : vector<16xi32>
    %mul3A_102 = arith.constant 1024 : i32
    %mul3A_103 = arith.muli %add3A, %mul3A_102 : i32
    %add3A_104 = vector.broadcast %mul3A_103 : i32 to vector<16xi32>
    %add3A_105 = arith.addi %mul3A_101, %add3A_104 : vector<16xi32>
    %rem3A_106 = arith.constant 8 : i32
    %rem3A_107 = vector.broadcast %rem3A_106 : i32 to vector<16xi32>
    %rem3A_108 = arith.remsi %get3A_95, %rem3A_107 : vector<16xi32>
    %mul3A_109 = arith.constant 128 : i32
    %mul3A_110 = vector.broadcast %mul3A_109 : i32 to vector<16xi32>
    %mul3A_111 = arith.muli %rem3A_108, %mul3A_110 : vector<16xi32>
    %add3A_112 = arith.addi %add3A_105, %mul3A_111 : vector<16xi32>
    %add3A_113 = arith.constant 48 : i32
    %add3A_114 = vector.broadcast %add3A_113 : i32 to vector<16xi32>
    %add3A_115 = arith.addi %add3A_112, %add3A_114 : vector<16xi32>
    %add3A_116 = arith.addi %add3A_115, %iota3A : vector<16xi32>
    %swap3A_117 = arith.constant 0 : i32
    %swap3A_118 = arith.index_cast %swap3A_117 : i32 to index
    %swap3A_119 = arith.constant 48 : index
    %swap3A_120 = tpu.vector_load %arg8[%swap3A_118, %swap3A_119] {strides = array<i32>} : memref<2x64xi32, #tpu.memory_space<vmem>>, vector<1x16xi32>,
    %swap3A_121 = vector.shape_cast %swap3A_120 : vector<1x16xi32> to vector<16xi32>
    %swap3A_122 = vector.shape_cast %add3A_116 : vector<16xi32> to vector<1x16xi32>
    tpu.vector_store %arg8[%swap3A_118, %swap3A_119], %swap3A_122 {strides = array<i32>} : memref<2x64xi32, #tpu.memory_space<vmem>>, vector<1x16xi32>,
    %get3A_123 = arith.constant 64 : index
    %get3A_124 = tpu.vector_load %arg6[%get3A_123] {strides = array<i32>} : memref<128xi32, #tpu.memory_space<vmem>>, vector<16xi32>,
    %get3A_125 = vector.shape_cast %get3A_124 : vector<16xi32> to vector<16xi32>
    %div3A_126 = arith.constant 8 : i32
    %div3A_127 = vector.broadcast %div3A_126 : i32 to vector<16xi32>
    %div3A_128 = arith.divsi %get3A_125, %div3A_127 : vector<16xi32>
    %mul3A_129 = arith.constant 32768 : i32
    %mul3A_130 = vector.broadcast %mul3A_129 : i32 to vector<16xi32>
    %mul3A_131 = arith.muli %div3A_128, %mul3A_130 : vector<16xi32>
    %mul3A_132 = arith.constant 1024 : i32
    %mul3A_133 = arith.muli %add3A, %mul3A_132 : i32
    %add3A_134 = vector.broadcast %mul3A_133 : i32 to vector<16xi32>
    %add3A_135 = arith.addi %mul3A_131, %add3A_134 : vector<16xi32>
    %rem3A_136 = arith.constant 8 : i32
    %rem3A_137 = vector.broadcast %rem3A_136 : i32 to vector<16xi32>
    %rem3A_138 = arith.remsi %get3A_125, %rem3A_137 : vector<16xi32>
    %mul3A_139 = arith.constant 128 : i32
    %mul3A_140 = vector.broadcast %mul3A_139 : i32 to vector<16xi32>
    %mul3A_141 = arith.muli %rem3A_138, %mul3A_140 : vector<16xi32>
    %add3A_142 = arith.addi %add3A_135, %mul3A_141 : vector<16xi32>
    %add3A_143 = arith.constant 64 : i32
    %add3A_144 = vector.broadcast %add3A_143 : i32 to vector<16xi32>
    %add3A_145 = arith.addi %add3A_142, %add3A_144 : vector<16xi32>
    %add3A_146 = arith.addi %add3A_145, %iota3A : vector<16xi32>
    %swap3A_147 = arith.constant 1 : i32
    %swap3A_148 = arith.index_cast %swap3A_147 : i32 to index
    %swap3A_149 = arith.constant 0 : index
    %swap3A_150 = tpu.vector_load %arg8[%swap3A_148, %swap3A_149] {strides = array<i32>} : memref<2x64xi32, #tpu.memory_space<vmem>>, vector<1x16xi32>,
    %swap3A_151 = vector.shape_cast %swap3A_150 : vector<1x16xi32> to vector<16xi32>
    %swap3A_152 = vector.shape_cast %add3A_146 : vector<16xi32> to vector<1x16xi32>
    tpu.vector_store %arg8[%swap3A_148, %swap3A_149], %swap3A_152 {strides = array<i32>} : memref<2x64xi32, #tpu.memory_space<vmem>>, vector<1x16xi32>,
    %get3A_153 = arith.constant 80 : index
    %get3A_154 = tpu.vector_load %arg6[%get3A_153] {strides = array<i32>} : memref<128xi32, #tpu.memory_space<vmem>>, vector<16xi32>,
    %get3A_155 = vector.shape_cast %get3A_154 : vector<16xi32> to vector<16xi32>
    %div3A_156 = arith.constant 8 : i32
    %div3A_157 = vector.broadcast %div3A_156 : i32 to vector<16xi32>
    %div3A_158 = arith.divsi %get3A_155, %div3A_157 : vector<16xi32>
    %mul3A_159 = arith.constant 32768 : i32
    %mul3A_160 = vector.broadcast %mul3A_159 : i32 to vector<16xi32>
    %mul3A_161 = arith.muli %div3A_158, %mul3A_160 : vector<16xi32>
    %mul3A_162 = arith.constant 1024 : i32
    %mul3A_163 = arith.muli %add3A, %mul3A_162 : i32
    %add3A_164 = vector.broadcast %mul3A_163 : i32 to vector<16xi32>
    %add3A_165 = arith.addi %mul3A_161, %add3A_164 : vector<16xi32>
    %rem3A_166 = arith.constant 8 : i32
    %rem3A_167 = vector.broadcast %rem3A_166 : i32 to vector<16xi32>
    %rem3A_168 = arith.remsi %get3A_155, %rem3A_167 : vector<16xi32>
    %mul3A_169 = arith.constant 128 : i32
    %mul3A_170 = vector.broadcast %mul3A_169 : i32 to vector<16xi32>
    %mul3A_171 = arith.muli %rem3A_168, %mul3A_170 : vector<16xi32>
    %add3A_172 = arith.addi %add3A_165, %mul3A_171 : vector<16xi32>
    %add3A_173 = arith.constant 80 : i32
    %add3A_174 = vector.broadcast %add3A_173 : i32 to vector<16xi32>
    %add3A_175 = arith.addi %add3A_172, %add3A_174 : vector<16xi32>
    %add3A_176 = arith.addi %add3A_175, %iota3A : vector<16xi32>
    %swap3A_177 = arith.constant 1 : i32
    %swap3A_178 = arith.index_cast %swap3A_177 : i32 to index
    %swap3A_179 = arith.constant 16 : index
    %swap3A_180 = tpu.vector_load %arg8[%swap3A_178, %swap3A_179] {strides = array<i32>} : memref<2x64xi32, #tpu.memory_space<vmem>>, vector<1x16xi32>,
    %swap3A_181 = vector.shape_cast %swap3A_180 : vector<1x16xi32> to vector<16xi32>
    %swap3A_182 = vector.shape_cast %add3A_176 : vector<16xi32> to vector<1x16xi32>
    tpu.vector_store %arg8[%swap3A_178, %swap3A_179], %swap3A_182 {strides = array<i32>} : memref<2x64xi32, #tpu.memory_space<vmem>>, vector<1x16xi32>,
    %get3A_183 = arith.constant 96 : index
    %get3A_184 = tpu.vector_load %arg6[%get3A_183] {strides = array<i32>} : memref<128xi32, #tpu.memory_space<vmem>>, vector<16xi32>,
    %get3A_185 = vector.shape_cast %get3A_184 : vector<16xi32> to vector<16xi32>
    %div3A_186 = arith.constant 8 : i32
    %div3A_187 = vector.broadcast %div3A_186 : i32 to vector<16xi32>
    %div3A_188 = arith.divsi %get3A_185, %div3A_187 : vector<16xi32>
    %mul3A_189 = arith.constant 32768 : i32
    %mul3A_190 = vector.broadcast %mul3A_189 : i32 to vector<16xi32>
    %mul3A_191 = arith.muli %div3A_188, %mul3A_190 : vector<16xi32>
    %mul3A_192 = arith.constant 1024 : i32
    %mul3A_193 = arith.muli %add3A, %mul3A_192 : i32
    %add3A_194 = vector.broadcast %mul3A_193 : i32 to vector<16xi32>
    %add3A_195 = arith.addi %mul3A_191, %add3A_194 : vector<16xi32>
    %rem3A_196 = arith.constant 8 : i32
    %rem3A_197 = vector.broadcast %rem3A_196 : i32 to vector<16xi32>
    %rem3A_198 = arith.remsi %get3A_185, %rem3A_197 : vector<16xi32>
    %mul3A_199 = arith.constant 128 : i32
    %mul3A_200 = vector.broadcast %mul3A_199 : i32 to vector<16xi32>
    %mul3A_201 = arith.muli %rem3A_198, %mul3A_200 : vector<16xi32>
    %add3A_202 = arith.addi %add3A_195, %mul3A_201 : vector<16xi32>
    %add3A_203 = arith.constant 96 : i32
    %add3A_204 = vector.broadcast %add3A_203 : i32 to vector<16xi32>
    %add3A_205 = arith.addi %add3A_202, %add3A_204 : vector<16xi32>
    %add3A_206 = arith.addi %add3A_205, %iota3A : vector<16xi32>
    %swap3A_207 = arith.constant 1 : i32
    %swap3A_208 = arith.index_cast %swap3A_207 : i32 to index
    %swap3A_209 = arith.constant 32 : index
    %swap3A_210 = tpu.vector_load %arg8[%swap3A_208, %swap3A_209] {strides = array<i32>} : memref<2x64xi32, #tpu.memory_space<vmem>>, vector<1x16xi32>,
    %swap3A_211 = vector.shape_cast %swap3A_210 : vector<1x16xi32> to vector<16xi32>
    %swap3A_212 = vector.shape_cast %add3A_206 : vector<16xi32> to vector<1x16xi32>
    tpu.vector_store %arg8[%swap3A_208, %swap3A_209], %swap3A_212 {strides = array<i32>} : memref<2x64xi32, #tpu.memory_space<vmem>>, vector<1x16xi32>,
    %get3A_213 = arith.constant 112 : index
    %get3A_214 = tpu.vector_load %arg6[%get3A_213] {strides = array<i32>} : memref<128xi32, #tpu.memory_space<vmem>>, vector<16xi32>,
    %get3A_215 = vector.shape_cast %get3A_214 : vector<16xi32> to vector<16xi32>
    %div3A_216 = arith.constant 8 : i32
    %div3A_217 = vector.broadcast %div3A_216 : i32 to vector<16xi32>
    %div3A_218 = arith.divsi %get3A_215, %div3A_217 : vector<16xi32>
    %mul3A_219 = arith.constant 32768 : i32
    %mul3A_220 = vector.broadcast %mul3A_219 : i32 to vector<16xi32>
    %mul3A_221 = arith.muli %div3A_218, %mul3A_220 : vector<16xi32>
    %mul3A_222 = arith.constant 1024 : i32
    %mul3A_223 = arith.muli %add3A, %mul3A_222 : i32
    %add3A_224 = vector.broadcast %mul3A_223 : i32 to vector<16xi32>
    %add3A_225 = arith.addi %mul3A_221, %add3A_224 : vector<16xi32>
    %rem3A_226 = arith.constant 8 : i32
    %rem3A_227 = vector.broadcast %rem3A_226 : i32 to vector<16xi32>
    %rem3A_228 = arith.remsi %get3A_215, %rem3A_227 : vector<16xi32>
    %mul3A_229 = arith.constant 128 : i32
    %mul3A_230 = vector.broadcast %mul3A_229 : i32 to vector<16xi32>
    %mul3A_231 = arith.muli %rem3A_228, %mul3A_230 : vector<16xi32>
    %add3A_232 = arith.addi %add3A_225, %mul3A_231 : vector<16xi32>
    %add3A_233 = arith.constant 112 : i32
    %add3A_234 = vector.broadcast %add3A_233 : i32 to vector<16xi32>
    %add3A_235 = arith.addi %add3A_232, %add3A_234 : vector<16xi32>
    %add3A_236 = arith.addi %add3A_235, %iota3A : vector<16xi32>
    %swap3A_237 = arith.constant 1 : i32
    %swap3A_238 = arith.index_cast %swap3A_237 : i32 to index
    %swap3A_239 = arith.constant 48 : index
    %swap3A_240 = tpu.vector_load %arg8[%swap3A_238, %swap3A_239] {strides = array<i32>} : memref<2x64xi32, #tpu.memory_space<vmem>>, vector<1x16xi32>,
    %swap3A_241 = vector.shape_cast %swap3A_240 : vector<1x16xi32> to vector<16xi32>
    %swap3A_242 = vector.shape_cast %add3A_236 : vector<16xi32> to vector<1x16xi32>
    tpu.vector_store %arg8[%swap3A_238, %swap3A_239], %swap3A_242 {strides = array<i32>} : memref<2x64xi32, #tpu.memory_space<vmem>>, vector<1x16xi32>,
    %dma_start3A_243 = arith.constant 0 : i32
    %dma_start3A_244 = arith.constant 0 : i32
    %dma_start3A_245 = arith.constant 0 : i32
    %dma_start3A_246 = tpu.memref_slice %arg9[%dma_start3A_244, %dma_start3A_245] : memref<2x64xf32, #tpu.memory_space<vmem>> -> memref<1x64xf32, #tpu.memory_space<vmem>>
    %dma_start3A_247 = tpu.memref_squeeze %dma_start3A_246 : memref<1x64xf32, #tpu.memory_space<vmem>> -> memref<64xf32, #tpu.memory_space<vmem>>
    %dma_start3A_248 = arith.constant 0 : i32
    %dma_start3A_249 = tpu.memref_slice %arg8[%dma_start3A_243, %dma_start3A_248] : memref<2x64xi32, #tpu.memory_space<vmem>> -> memref<1x64xi32, #tpu.memory_space<vmem>>
    %dma_start3A_250 = tpu.memref_squeeze %dma_start3A_249 : memref<1x64xi32, #tpu.memory_space<vmem>> -> memref<64xi32, #tpu.memory_space<vmem>>
    %dma_start3A_251 = arith.constant 0 : i32
    %dma_start3A_252 = tpu.memref_slice %arg2[%dma_start3A_251] : memref<409600000xf32, #tpu.memory_space<hbm>> -> memref<409600000xf32, #tpu.memory_space<hbm>>
    tpu.enqueue_indirect_dma source(%dma_start3A_252 : memref<409600000xf32, #tpu.memory_space<hbm>>) target(%dma_start3A_247 : memref<64xf32, #tpu.memory_space<vmem>>) offsets(%dma_start3A_250 : memref<64xi32, #tpu.memory_space<vmem>>) semaphore(%arg12 : memref<!tpu.dma_semaphore, #tpu.memory_space<semaphore_mem>>)
    %dma_start3A_253 = arith.constant 1 : i32
    %dma_start3A_254 = arith.constant 1 : i32
    %dma_start3A_255 = arith.constant 0 : i32
    %dma_start3A_256 = tpu.memref_slice %arg9[%dma_start3A_254, %dma_start3A_255] : memref<2x64xf32, #tpu.memory_space<vmem>> -> memref<1x64xf32, #tpu.memory_space<vmem>>
    %dma_start3A_257 = tpu.memref_squeeze %dma_start3A_256 : memref<1x64xf32, #tpu.memory_space<vmem>> -> memref<64xf32, #tpu.memory_space<vmem>>
    %dma_start3A_258 = arith.constant 0 : i32
    %dma_start3A_259 = tpu.memref_slice %arg8[%dma_start3A_253, %dma_start3A_258] : memref<2x64xi32, #tpu.memory_space<vmem>> -> memref<1x64xi32, #tpu.memory_space<vmem>>
    %dma_start3A_260 = tpu.memref_squeeze %dma_start3A_259 : memref<1x64xi32, #tpu.memory_space<vmem>> -> memref<64xi32, #tpu.memory_space<vmem>>
    %dma_start3A_261 = arith.constant 0 : i32
    %dma_start3A_262 = tpu.memref_slice %arg2[%dma_start3A_261] : memref<409600000xf32, #tpu.memory_space<hbm>> -> memref<409600000xf32, #tpu.memory_space<hbm>>
    tpu.enqueue_indirect_dma source(%dma_start3A_262 : memref<409600000xf32, #tpu.memory_space<hbm>>) target(%dma_start3A_257 : memref<64xf32, #tpu.memory_space<vmem>>) offsets(%dma_start3A_260 : memref<64xi32, #tpu.memory_space<vmem>>) semaphore(%arg12 : memref<!tpu.dma_semaphore, #tpu.memory_space<semaphore_mem>>)
    %dma_wait3A_263 = tpu.memref_slice %arg4[%mul3A_2] : memref<4096xf32, #tpu.memory_space<hbm>> -> memref<128xf32, #tpu.memory_space<hbm>>
    %dma_wait3A_264 = tpu.memref_slice %arg4[%mul3A_2] : memref<4096xf32, #tpu.memory_space<hbm>> -> memref<128xf32, #tpu.memory_space<hbm>>
    tpu.wait_dma2 semaphore(%arg11 : memref<!tpu.dma_semaphore, #tpu.memory_space<semaphore_mem>>) src(%dma_wait3A_264 : memref<128xf32, #tpu.memory_space<hbm>>) dst(%arg7 : memref<128xf32, #tpu.memory_space<vmem>>)
    %broadcast_in_dim3A = arith.constant 0.000000e+00 : f32
    %broadcast_in_dim3A_265 = vector.broadcast %broadcast_in_dim3A : f32 to vector<16xf32>
    %dma_wait3A_266 = arith.constant 0 : i32
    %dma_wait3A_267 = arith.constant 0 : i32
    %dma_wait3A_268 = arith.constant 0 : i32
    %dma_wait3A_269 = tpu.memref_slice %arg9[%dma_wait3A_267, %dma_wait3A_268] : memref<2x64xf32, #tpu.memory_space<vmem>> -> memref<1x64xf32, #tpu.memory_space<vmem>>
    %dma_wait3A_270 = tpu.memref_squeeze %dma_wait3A_269 : memref<1x64xf32, #tpu.memory_space<vmem>> -> memref<64xf32, #tpu.memory_space<vmem>>
    %dma_wait3A_271 = arith.constant 0 : i32
    %dma_wait3A_272 = tpu.memref_slice %arg8[%dma_wait3A_266, %dma_wait3A_271] : memref<2x64xi32, #tpu.memory_space<vmem>> -> memref<1x64xi32, #tpu.memory_space<vmem>>
    %dma_wait3A_273 = tpu.memref_squeeze %dma_wait3A_272 : memref<1x64xi32, #tpu.memory_space<vmem>> -> memref<64xi32, #tpu.memory_space<vmem>>
    %dma_wait3A_274 = arith.constant 0 : i32
    %dma_wait3A_275 = tpu.memref_slice %arg2[%dma_wait3A_274] : memref<409600000xf32, #tpu.memory_space<hbm>> -> memref<409600000xf32, #tpu.memory_space<hbm>>
    tpu.wait_indirect_dma semaphore(%arg12 : memref<!tpu.dma_semaphore, #tpu.memory_space<semaphore_mem>>) src(%dma_wait3A_275 : memref<409600000xf32, #tpu.memory_space<hbm>>) dst(%dma_wait3A_270 : memref<64xf32, #tpu.memory_space<vmem>>)
    %get3A_276 = arith.constant 0 : i32
    %get3A_277 = arith.index_cast %get3A_276 : i32 to index
    %get3A_278 = arith.constant 0 : index
    %get3A_279 = tpu.vector_load %arg9[%get3A_277, %get3A_278] {strides = array<i32>} : memref<2x64xf32, #tpu.memory_space<vmem>>, vector<1x16xf32>,
    %get3A_280 = vector.shape_cast %get3A_279 : vector<1x16xf32> to vector<16xf32>
    %get3A_281 = arith.constant 0 : index
    %get3A_282 = tpu.vector_load %arg7[%get3A_281] {strides = array<i32>} : memref<128xf32, #tpu.memory_space<vmem>>, vector<16xf32>,
    %get3A_283 = vector.shape_cast %get3A_282 : vector<16xf32> to vector<16xf32>
    %mul3A_284 = arith.mulf %get3A_280, %get3A_283 : vector<16xf32>
    %sub3A = arith.subf %broadcast_in_dim3A_265, %mul3A_284 : vector<16xf32>
    %get3A_285 = arith.constant 0 : i32
    %get3A_286 = arith.index_cast %get3A_285 : i32 to index
    %get3A_287 = arith.constant 16 : index
    %get3A_288 = tpu.vector_load %arg9[%get3A_286, %get3A_287] {strides = array<i32>} : memref<2x64xf32, #tpu.memory_space<vmem>>, vector<1x16xf32>,
    %get3A_289 = vector.shape_cast %get3A_288 : vector<1x16xf32> to vector<16xf32>
    %get3A_290 = arith.constant 16 : index
    %get3A_291 = tpu.vector_load %arg7[%get3A_290] {strides = array<i32>} : memref<128xf32, #tpu.memory_space<vmem>>, vector<16xf32>,
    %get3A_292 = vector.shape_cast %get3A_291 : vector<16xf32> to vector<16xf32>
    %mul3A_293 = arith.mulf %get3A_289, %get3A_292 : vector<16xf32>
    %sub3A_294 = arith.subf %sub3A, %mul3A_293 : vector<16xf32>
    %get3A_295 = arith.constant 0 : i32
    %get3A_296 = arith.index_cast %get3A_295 : i32 to index
    %get3A_297 = arith.constant 32 : index
    %get3A_298 = tpu.vector_load %arg9[%get3A_296, %get3A_297] {strides = array<i32>} : memref<2x64xf32, #tpu.memory_space<vmem>>, vector<1x16xf32>,
    %get3A_299 = vector.shape_cast %get3A_298 : vector<1x16xf32> to vector<16xf32>
    %get3A_300 = arith.constant 32 : index
    %get3A_301 = tpu.vector_load %arg7[%get3A_300] {strides = array<i32>} : memref<128xf32, #tpu.memory_space<vmem>>, vector<16xf32>,
    %get3A_302 = vector.shape_cast %get3A_301 : vector<16xf32> to vector<16xf32>
    %mul3A_303 = arith.mulf %get3A_299, %get3A_302 : vector<16xf32>
    %sub3A_304 = arith.subf %sub3A_294, %mul3A_303 : vector<16xf32>
    %get3A_305 = arith.constant 0 : i32
    %get3A_306 = arith.index_cast %get3A_305 : i32 to index
    %get3A_307 = arith.constant 48 : index
    %get3A_308 = tpu.vector_load %arg9[%get3A_306, %get3A_307] {strides = array<i32>} : memref<2x64xf32, #tpu.memory_space<vmem>>, vector<1x16xf32>,
    %get3A_309 = vector.shape_cast %get3A_308 : vector<1x16xf32> to vector<16xf32>
    %get3A_310 = arith.constant 48 : index
    %get3A_311 = tpu.vector_load %arg7[%get3A_310] {strides = array<i32>} : memref<128xf32, #tpu.memory_space<vmem>>, vector<16xf32>,
    %get3A_312 = vector.shape_cast %get3A_311 : vector<16xf32> to vector<16xf32>
    %mul3A_313 = arith.mulf %get3A_309, %get3A_312 : vector<16xf32>
    %sub3A_314 = arith.subf %sub3A_304, %mul3A_313 : vector<16xf32>
    %dma_wait3A_315 = arith.constant 1 : i32
    %dma_wait3A_316 = arith.constant 1 : i32
    %dma_wait3A_317 = arith.constant 0 : i32
    %dma_wait3A_318 = tpu.memref_slice %arg9[%dma_wait3A_316, %dma_wait3A_317] : memref<2x64xf32, #tpu.memory_space<vmem>> -> memref<1x64xf32, #tpu.memory_space<vmem>>
    %dma_wait3A_319 = tpu.memref_squeeze %dma_wait3A_318 : memref<1x64xf32, #tpu.memory_space<vmem>> -> memref<64xf32, #tpu.memory_space<vmem>>
    %dma_wait3A_320 = arith.constant 0 : i32
    %dma_wait3A_321 = tpu.memref_slice %arg8[%dma_wait3A_315, %dma_wait3A_320] : memref<2x64xi32, #tpu.memory_space<vmem>> -> memref<1x64xi32, #tpu.memory_space<vmem>>
    %dma_wait3A_322 = tpu.memref_squeeze %dma_wait3A_321 : memref<1x64xi32, #tpu.memory_space<vmem>> -> memref<64xi32, #tpu.memory_space<vmem>>
    %dma_wait3A_323 = arith.constant 0 : i32
    %dma_wait3A_324 = tpu.memref_slice %arg2[%dma_wait3A_323] : memref<409600000xf32, #tpu.memory_space<hbm>> -> memref<409600000xf32, #tpu.memory_space<hbm>>
    tpu.wait_indirect_dma semaphore(%arg12 : memref<!tpu.dma_semaphore, #tpu.memory_space<semaphore_mem>>) src(%dma_wait3A_324 : memref<409600000xf32, #tpu.memory_space<hbm>>) dst(%dma_wait3A_319 : memref<64xf32, #tpu.memory_space<vmem>>)
    %get3A_325 = arith.constant 1 : i32
    %get3A_326 = arith.index_cast %get3A_325 : i32 to index
    %get3A_327 = arith.constant 0 : index
    %get3A_328 = tpu.vector_load %arg9[%get3A_326, %get3A_327] {strides = array<i32>} : memref<2x64xf32, #tpu.memory_space<vmem>>, vector<1x16xf32>,
    %get3A_329 = vector.shape_cast %get3A_328 : vector<1x16xf32> to vector<16xf32>
    %get3A_330 = arith.constant 64 : index
    %get3A_331 = tpu.vector_load %arg7[%get3A_330] {strides = array<i32>} : memref<128xf32, #tpu.memory_space<vmem>>, vector<16xf32>,
    %get3A_332 = vector.shape_cast %get3A_331 : vector<16xf32> to vector<16xf32>
    %mul3A_333 = arith.mulf %get3A_329, %get3A_332 : vector<16xf32>
    %sub3A_334 = arith.subf %sub3A_314, %mul3A_333 : vector<16xf32>
    %get3A_335 = arith.constant 1 : i32
    %get3A_336 = arith.index_cast %get3A_335 : i32 to index
    %get3A_337 = arith.constant 16 : index
    %get3A_338 = tpu.vector_load %arg9[%get3A_336, %get3A_337] {strides = array<i32>} : memref<2x64xf32, #tpu.memory_space<vmem>>, vector<1x16xf32>,
    %get3A_339 = vector.shape_cast %get3A_338 : vector<1x16xf32> to vector<16xf32>
    %get3A_340 = arith.constant 80 : index
    %get3A_341 = tpu.vector_load %arg7[%get3A_340] {strides = array<i32>} : memref<128xf32, #tpu.memory_space<vmem>>, vector<16xf32>,
    %get3A_342 = vector.shape_cast %get3A_341 : vector<16xf32> to vector<16xf32>
    %mul3A_343 = arith.mulf %get3A_339, %get3A_342 : vector<16xf32>
    %sub3A_344 = arith.subf %sub3A_334, %mul3A_343 : vector<16xf32>
    %get3A_345 = arith.constant 1 : i32
    %get3A_346 = arith.index_cast %get3A_345 : i32 to index
    %get3A_347 = arith.constant 32 : index
    %get3A_348 = tpu.vector_load %arg9[%get3A_346, %get3A_347] {strides = array<i32>} : memref<2x64xf32, #tpu.memory_space<vmem>>, vector<1x16xf32>,
    %get3A_349 = vector.shape_cast %get3A_348 : vector<1x16xf32> to vector<16xf32>
    %get3A_350 = arith.constant 96 : index
    %get3A_351 = tpu.vector_load %arg7[%get3A_350] {strides = array<i32>} : memref<128xf32, #tpu.memory_space<vmem>>, vector<16xf32>,
    %get3A_352 = vector.shape_cast %get3A_351 : vector<16xf32> to vector<16xf32>
    %mul3A_353 = arith.mulf %get3A_349, %get3A_352 : vector<16xf32>
    %sub3A_354 = arith.subf %sub3A_344, %mul3A_353 : vector<16xf32>
    %get3A_355 = arith.constant 1 : i32
    %get3A_356 = arith.index_cast %get3A_355 : i32 to index
    %get3A_357 = arith.constant 48 : index
    %get3A_358 = tpu.vector_load %arg9[%get3A_356, %get3A_357] {strides = array<i32>} : memref<2x64xf32, #tpu.memory_space<vmem>>, vector<1x16xf32>,
    %get3A_359 = vector.shape_cast %get3A_358 : vector<1x16xf32> to vector<16xf32>
    %get3A_360 = arith.constant 112 : index
    %get3A_361 = tpu.vector_load %arg7[%get3A_360] {strides = array<i32>} : memref<128xf32, #tpu.memory_space<vmem>>, vector<16xf32>,
    %get3A_362 = vector.shape_cast %get3A_361 : vector<16xf32> to vector<16xf32>
    %mul3A_363 = arith.mulf %get3A_359, %get3A_362 : vector<16xf32>
    %sub3A_364 = arith.subf %sub3A_354, %mul3A_363 : vector<16xf32>
    %swap3A_365 = arith.constant 0 : index
    %swap3A_366 = tpu.vector_load %arg10[%swap3A_365] {strides = array<i32>} : memref<16xf32, #tpu.memory_space<vmem>>, vector<16xf32>,
    %swap3A_367 = vector.shape_cast %swap3A_366 : vector<16xf32> to vector<16xf32>
    %swap3A_368 = vector.shape_cast %sub3A_364 : vector<16xf32> to vector<16xf32>
    tpu.vector_store %arg10[%swap3A_365], %swap3A_368 {strides = array<i32>} : memref<16xf32, #tpu.memory_space<vmem>>, vector<16xf32>,
    "tpu.region"() ({
      %run_scoped3A = tpu.sem_alloc : memref<!tpu.dma_semaphore, #tpu.memory_space<semaphore_mem>>
      %dma_start3A_369 = arith.constant 0 : i32
      %dma_start3A_370 = tpu.memref_slice %arg5[%add3A, %dma_start3A_369] : memref<32x16xf32, #tpu.memory_space<hbm>> -> memref<1x16xf32, #tpu.memory_space<hbm>>
      %dma_start3A_371 = tpu.memref_squeeze %dma_start3A_370 : memref<1x16xf32, #tpu.memory_space<hbm>> -> memref<16xf32, #tpu.memory_space<hbm>>
      %dma_start3A_372 = arith.constant 0 : i32
      %dma_start3A_373 = tpu.memref_slice %arg5[%add3A, %dma_start3A_372] : memref<32x16xf32, #tpu.memory_space<hbm>> -> memref<1x16xf32, #tpu.memory_space<hbm>>
      %dma_start3A_374 = tpu.memref_squeeze %dma_start3A_373 : memref<1x16xf32, #tpu.memory_space<hbm>> -> memref<16xf32, #tpu.memory_space<hbm>>
      tpu.enqueue_dma source(%arg10 : memref<16xf32, #tpu.memory_space<vmem>>) target(%dma_start3A_374 : memref<16xf32, #tpu.memory_space<hbm>>) target_semaphore(%run_scoped3A : memref<!tpu.dma_semaphore, #tpu.memory_space<semaphore_mem>>)
      %dma_wait3A_375 = arith.constant 0 : i32
      %dma_wait3A_376 = tpu.memref_slice %arg5[%add3A, %dma_wait3A_375] : memref<32x16xf32, #tpu.memory_space<hbm>> -> memref<1x16xf32, #tpu.memory_space<hbm>>
      %dma_wait3A_377 = tpu.memref_squeeze %dma_wait3A_376 : memref<1x16xf32, #tpu.memory_space<hbm>> -> memref<16xf32, #tpu.memory_space<hbm>>
      %dma_wait3A_378 = arith.constant 0 : i32
      %dma_wait3A_379 = tpu.memref_slice %arg5[%add3A, %dma_wait3A_378] : memref<32x16xf32, #tpu.memory_space<hbm>> -> memref<1x16xf32, #tpu.memory_space<hbm>>
      %dma_wait3A_380 = tpu.memref_squeeze %dma_wait3A_379 : memref<1x16xf32, #tpu.memory_space<hbm>> -> memref<16xf32, #tpu.memory_space<hbm>>
      tpu.wait_dma2 semaphore(%run_scoped3A : memref<!tpu.dma_semaphore, #tpu.memory_space<semaphore_mem>>) src(%arg10 : memref<16xf32, #tpu.memory_space<vmem>>) dst(%dma_wait3A_380 : memref<16xf32, #tpu.memory_space<hbm>>)
      tpu.yield
    }) : () -> ()
    return
  }
}

</mosaic_0001>

<sc_bundles>
// kernel: _sc_loss.3.cloned.1.call-start
scs
__scs_entry_jumppad:
0x0: {  	(pc) =	sbr.rel $0x88, $3  }
0x1: {  	(tag) =	ssettag $0x0;
	lr =	simm.s32 $0x1  }
0x2: {  	[smem:$0x3F9E] =	sst lr;
	_ =	strace $0xD0000000  }
0x3: {  	_ = 	snop  }
0x4: {  	_ = 	snop  }
0x5: {  	_ = 	snop  }
0x6: {  	_ = 	snop  }
0x7: {  	_ = 	snop  }
__scs_overlays_trampoline_lowered:
0x8: {  	[smem:$0x3FAD] =	sst s0  }
0x9: {  	[smem:$0x3FAE] =	sst s1  }
0xa: {  	[smem:$0x3FAF] =	sst s2  }
0xb: {  	[smem:$0x3FB0] =	sst s3  }
0xc: {  	[smem:$0x3FB1] =	sst s4  }
0xd: {  	[smem:$0x3FB2] =	sst s5  }
0xe: {  	[smem:$0x3FB3] =	sst s6  }
0xf: {  	[smem:$0x3FB4] =	sst s7  }
0x10: {  	[smem:$0x3FB5] =	sst s8  }
0x11: {  	[smem:$0x3FB6] =	sst s9;
	s0 =	simm.s32 @!p0 $0x0  }
0x12: {  	s1 =	sld [smem:$0x3F9C];
	s0 =	simm.s32 @p0 $0x1  }
0x13: {  	[smem:$0x3FB7] =	sst s0;
	s0 =	simm.s32 @!p1 $0x0  }
0x14: {  	s2 =	sld [smem:$0x3F9B];
	s0 =	simm.s32 @p1 $0x1  }
0x15: {  	[smem:$0x3FB8] =	sst s0;
	s0 =	simm.s32 @!p2 $0x0  }
0x16: {  	s3 =	sld [smem:$0x3FDB];
	s0 =	simm.s32 @p2 $0x1  }
0x17: {  	s4 =	simm.s32 $0x1BF5;
	[smem:$0x3FBA] =	sst s0  }
0x18: {  	s0 =	sld [smem:$0x3F9D];
	_ =	swait.ge [sflag:s4], $0x0  }
0x19: {  	s7 =	sld [smem:$0x3F9E]  }
0x1a: {  	s8 =	sadd.s32 $0xFFFFE003, lr  }
0x1b: {  	s9 =	sadd.s32 $0xFFFFFEF7, lr;
	s5 =	simm.s32 $0xFFFFFFFF;
	p2 =	slt.u32 s8, $0xFFFFF086  }
0x1c: {  	p1 =	slt.u32 s9, $0xF7A;
	s5 =	simm.s32 @!p2 $0x0  }
0x1d: {  	s5 =	simm.s32 @p1 $0x1;
	p0 =	seq.s32 s7, s2  }
0x1e: {  	s7 =	smul.u32 @!p0 $0xF7A, s2;
	p2 =	seq.s32 @!p0 s5, $0x0  }
0x1f: {  	s9 =	smul.u32 $0xF7A, s1;
	s8 =	simm.s32 @!p0 $0x1BF5;
	p2 =	por !p2, p0  }
0x20: {  	[sflag:s8] =	ssyncset.s32 @!p0 $0xFFFFF086;
	s6 =	sadd.s32 @!p0 s3, s7;
	s7 =	simm.s32 @!p0 $0x108  }
0x21: {  	s3 =	sadd.s32 s3, s9;
	s6 =	sadd.s32 @!p0 $0x88, s6;
	s7 =	simm.s32 @p2 $0x1082  }
0x22: {  	[simem:s7], [sflag:s8] =	dma.local @!p0 [hbm:s6], $0xF7A  }
0x23: {  	s9 =	sor.u32 $0xD0000000, s2;
	s6 =	simm.s32 $0x108;
	_ =	swait.ge @!p0 [sflag:s8], $0x0  }
0x24: {  	s3 =	sadd.s32 $0x88, s3;
	s6 =	simm.s32 @!p1 $0x1082;
	[sflag:s4] =	ssyncset.s32 $0xFFFFF086  }
0x25: {  	[simem:s6], [sflag:s4] =	dma.local [hbm:s3], $0xF7A  }
0x26: {  	[smem:$0x3F9E] =	sst s1;
	(tag) =	ssettag s2;
	_ =	strace s9  }
0x27: {  	s1 =	sld [smem:$0x3FAE]  }
0x28: {  	s2 =	sld [smem:$0x3FAF]  }
0x29: {  	s4 =	sld [smem:$0x3FB1]  }
0x2a: {  	p0 =	seq.s32 s5, $0x0;
	s5 =	sld [smem:$0x3FB2]  }
0x2b: {  	s6 =	sld [smem:$0x3FB3]  }
0x2c: {  	s7 =	sld [smem:$0x3FB4]  }
0x2d: {  	s3 =	simm.s32 $0x108;
	s8 =	sld [smem:$0x3FB5]  }
0x2e: {  	s3 =	simm.s32 @!p0 $0x1082;
	s9 =	sld [smem:$0x3FB6]  }
0x2f: {  	lr =	sadd.s32 s0, s3;
	s0 =	sld [smem:$0x3FAD]  }
0x30: {  	s3 =	sld [smem:$0x3FB0]  }
0x31: {  	[smem:$0x3FB9] =	sst s10  }
0x32: {  	s10 =	sld [smem:$0x3FB7];
	_ =	sdelay $0x3  }
0x33: {  	p0 =	seq.s32 s10, $0x1;
	s10 =	sld [smem:$0x3FB9];
	_ =	sdelay $0x3  }
0x34: {  	[smem:$0x3FB9] =	sst s10  }
0x35: {  	s10 =	sld [smem:$0x3FB8];
	_ =	sdelay $0x3  }
0x36: {  	p1 =	seq.s32 s10, $0x1;
	s10 =	sld [smem:$0x3FB9];
	_ =	sdelay $0x3  }
0x37: {  	[smem:$0x3FB9] =	sst s10  }
0x38: {  	s10 =	sld [smem:$0x3FBA]  }
0x39: {  	_ = 	snop;
	(pc) =	sbr.ind lr, $3  }
0x3a: {  	_ = 	snop  }
0x3b: {  	_ = 	snop  }
0x3c: {  	p2 =	seq.s32 s10, $0x1;
	s10 =	sld [smem:$0x3FB9]  }
0x3d: {  	_ =	shalt  }
0x3e: {  	_ =	shalt  }
0x3f: {  	_ =	shalt  }
0x40: {  	_ =	shalt  }
0x41: {  	_ =	shalt  }
0x42: {  	_ =	shalt  }
0x43: {  	_ =	shalt  }
0x44: {  	_ =	shalt  }
0x45: {  	_ =	shalt  }
0x46: {  	_ =	shalt  }
0x47: {  	_ =	shalt  }
0x48: {  	_ =	shalt  }
0x49: {  	_ =	shalt  }
0x4a: {  	_ =	shalt  }
0x4b: {  	_ =	shalt  }
0x4c: {  	_ =	shalt  }
0x4d: {  	_ =	shalt  }
0x4e: {  	_ =	shalt  }
0x4f: {  	_ =	shalt  }
0x50: {  	_ =	shalt  }
0x51: {  	_ =	shalt  }
0x52: {  	_ =	shalt  }
0x53: {  	_ =	shalt  }
0x54: {  	_ =	shalt  }
0x55: {  	_ =	shalt  }
0x56: {  	_ =	shalt  }
0x57: {  	_ =	shalt  }
0x58: {  	_ =	shalt  }
0x59: {  	_ =	shalt  }
0x5a: {  	_ =	shalt  }
0x5b: {  	_ =	shalt  }
0x5c: {  	_ =	shalt  }
0x5d: {  	_ =	shalt  }
0x5e: {  	_ =	shalt  }
0x5f: {  	_ =	shalt  }
0x60: {  	_ =	shalt  }
0x61: {  	_ =	shalt  }
0x62: {  	_ =	shalt  }
0x63: {  	_ =	shalt  }
0x64: {  	_ =	shalt  }
0x65: {  	_ =	shalt  }
0x66: {  	_ =	shalt  }
0x67: {  	_ =	shalt  }
0x68: {  	_ =	shalt  }
0x69: {  	_ =	shalt  }
0x6a: {  	_ =	shalt  }
0x6b: {  	_ =	shalt  }
0x6c: {  	_ =	shalt  }
0x6d: {  	_ =	shalt  }
0x6e: {  	_ =	shalt  }
0x6f: {  	_ =	shalt  }
0x70: {  	_ =	shalt  }
0x71: {  	_ =	shalt  }
0x72: {  	_ =	shalt  }
0x73: {  	_ =	shalt  }
0x74: {  	_ =	shalt  }
0x75: {  	_ =	shalt  }
0x76: {  	_ =	shalt  }
0x77: {  	_ =	shalt  }
0x78: {  	_ =	shalt  }
0x79: {  	_ =	shalt  }
0x7a: {  	_ =	shalt  }
0x7b: {  	_ =	shalt  }
0x7c: {  	_ =	shalt  }
0x7d: {  	_ =	shalt  }
0x7e: {  	_ =	shalt  }
0x7f: {  	_ =	shalt  }
0x80: {  	_ =	shalt  }
0x81: {  	_ =	shalt  }
0x82: {  	_ =	shalt  }
0x83: {  	_ =	shalt  }
0x84: {  	_ =	shalt  }
0x85: {  	_ =	shalt  }
0x86: {  	_ =	shalt  }
0x87: {  	_ =	shalt  }
.Lfunc_end0:
.L_simem_size_0:
called_computation_lowered:
.L_overlay_start_0:
0x88: {  	s2 =	sld [smem:$0x3FD9]  }
0x89: {  	s3 =	sld [smem:$0x3FFE];
	_ =	sdelay $0x1  }
0x8a: {  	s1 =	srdreg.scid  }
0x8b: {  	s0 =	sand.u32 $0x1, s1  }
0x8c: {  	s17 =	sshll.u32 s0, $0xA;
	s2 =	sadd.s32 s3, s2  }
0x8d: {  	s2 =	sadd.s32 s2, s17  }
0x8e: {  	[smem:$0x3FC5] =	sst s2  }
0x8f: {  	_ = 	snop  }
0x90: {  	s2 =	sld [smem:$0x3FC9]  }
0x91: {  	s18 =	sld [smem:$0x3FC8]  }
0x92: {  	s4 =	sld [smem:$0x3FC7];
	(tm) =	ssettm $0x1  }
0x93: {  	s5 =	sld [smem:$0x3FFB];
	_ =	sdelay $0x3  }
0x94: {  	_ =	strace s5  }
0x95: {  	s5 =	sld [smem:$0x3FFC];
	_ =	sdelay $0x3  }
0x96: {  	_ =	strace s5  }
0x97: {  	s5 =	sld [smem:$0x3FFD];
	_ =	sdelay $0x3  }
0x98: {  	_ =	strace s5  }
0x99: {  	_ =	strace $0x8FFFFFFF  }
0x9a: {  	s19 =	sld [smem:$0x3FDB];
	_ =	sdelay $0x1  }
0x9b: {  	s6 =	simm.s32 $_scs_section_size  }
0x9c: {  	s7 =	simm.s32 $_size__tile_overlayer_lowered;
	s8 =	simm.s32 $_tile_overlayer_lowered  }
0x9d: {  	s22 =	simm.s32 $0x1BFF;
	s21 =	sshll.u32 s8, $0x1;
	s5 =	sadd.s32 s6, s19  }
0x9e: {  	s9 =	simm.s32 $0x0;
	s20 =	sshll.u32 s7, $0x1;
	s7 =	sadd.s32 s21, s5  }
0x9f: {  	[timem:s9], [sflag:s22] =	dma.local [hbm:s7], s20  }
0xa0: {  	_ =	swait.ge [sflag:s22], s20  }
0xa1: {  	s6 =	ssub.s32 $0x0, s20;
	[sflag:s22] =	ssyncset.done $0x0  }
0xa2: {  	[sflag:s22] =	ssyncadd.s32 s6;
	_ =	sdelay $0x1  }
0xa3: {  	s23 =	simm.s32 $0x1B8B  }
0xa4: {  	_ =	swait.ge [sflag:s23], $0x1  }
0xa5: {  	[sflag:s23] =	ssyncset.done $0x0  }
0xa6: {  	s25 =	simm.s32 $0x1B8E;
	s24 =	sld [smem:$0x3FFE];
	[sflag:s23] =	ssyncadd.s32 $0xFFFFFFFF  }
0xa7: {  	s26 =	simm.s32 $execute0_lowered;
	[smem:$0x3FD2] =	sst s25  }
0xa8: {  	s7 =	sshll.u32 s26, $0x1;
	_ =	strace $0x80000046;
	[dreg:$0x1] =	wrdreg $0xFFFFFFFF  }
0xa9: {  	s28 =	simm.s32 $_size_execute0_lowered;
	s5 =	sadd.s32 s5, s7;
	[dreg:$0x0] =	wrdreg $0x0  }
0xaa: {  	s7 =	sshll.u32 s28, $0x1;
	[dreg:$0x2] =	wrdreg s5  }
0xab: {  	[dreg:$0x3] =	wrdreg s7  }
0xac: {  	[dreg:$0x4] =	wrdreg $0xC0  }
0xad: {  	_ =	task [dreg:s9], $0x5FFFF  }
0xae: {  	[dreg:$0x1] =	wrdreg $0xFFFFFFFF  }
0xaf: {  	[dreg:$0x0] =	wrdreg $0x60  }
0xb0: {  	[dreg:$0x2] =	wrdreg s2  }
0xb1: {  	[dreg:$0x3] =	wrdreg s18  }
0xb2: {  	[dreg:$0x4] =	wrdreg s4  }
0xb3: {  	[dreg:$0x5] =	wrdreg s24  }
0xb4: {  	[dreg:$0x6] =	wrdreg $0x9  }
0xb5: {  	_ =	task.clear_ibuf [dreg:s9], $0x7FFFF;
	_ =	strace $0x90000046  }
0xb6: {  	s29 =	simm.s32 $0x9;
	_ =	strace $0x80000048  }
0xb7: {  	_ =	swait.ge [sflag:s29], $0x1  }
0xb8: {  	[sflag:s29] =	ssyncadd.s32 $0xFFFFFFFF  }
0xb9: {  	_ =	strace $0x90000048  }
0xba: {  	_ =	sfence  }
0xbb: {  	s30 =	sld [smem:$0x0];
	_ =	sdelay $0x2  }
0xbc: {  	s31 =	sshll.u32 s1, $0xD;
	s1 =	sshrl.u32 s1, $0x2  }
0xbd: {  	s3 =	sand.u32 $0x4000, s31;
	s1 =	sadd.s32 s1, s30  }
0xbe: {  	s0 =	sor.u32 s3, s0;
	s1 =	sshll.u32 s1, $0x11  }
0xbf: {  	s0 =	sor.u32 s1, s0  }
0xc0: {  	s0 =	sadd.s32 $0x8F2B, s0  }
0xc1: {  	[sflag:s0] =	ssyncadd.remote.s32 $0x1  }
0xc2: {  	_ =	sfence.sel $0xFFFF  }
0xc3: {  	[dreg:$0x0] =	wrdreg $0xFFFFFFFF;
	(pc) =	sbr.abs _section_cstart, $3  }
0xc4: {  	[dreg:$0x1] =	wrdreg $0xFFFFFFFF  }
0xc5: {  	_ =	task.clear_ibuf [dreg:s9], $0x2FFFF;
	_ =	strace $0x9FFFFFFF  }
0xc6: {  	(tm) =	ssettm $0x7FFFFFFF  }
0xc7: {  	_ =	shalt  }
tec
execute0_lowered:
.L_overlay_start_1:
0x0: {  	(tag) =	ssettag $0x1  }
0x1: {  	s1 =	rddreg [dreg:$0x0]  }
0x2: {  	s4 =	rddreg [dreg:$0x1]  }
0x3: {  	s5 =	rddreg [dreg:$0x2]  }
0x4: {  	s6 =	rddreg [dreg:$0x3]  }
0x5: {  	s0 =	rddreg [dreg:$0x4];
	s3 =	simm.s32 $0x0;
	s7 =	srdreg.scid  }
0x6: {  	s2 =	stileid.u32;
	s11 =	simm.s32 $0x100;
	s12 =	simm.s32 $0x200  }
0x7: {  	s13 =	simm.s32 $0x180;
	s14 =	simm.s32 $0x280;
	s16 =	simm.s32 $0x300  }
0x8: {  	s17 =	simm.s32 $0x3;
	[smem:$0x7FF] =	sst s3;
	s7 =	sand.u32 $0x1, s7  }
0x9: {  	s8 =	sshll.u32 s2, $0x4;
	_ =	strace $0x80000047;
	s9 =	sshll.u32 s7, $0x4  }
0xa: {  	v5 =	vlaneseq.u32;
	s8 =	sand.u32 $0x70, s8;
	s7 =	ssub.s32 $0x2, s7;
	s9 =	sor.u32 s2, s9  }
0xb: {  	v1 =	vor.u32 $0x10, v5;
	v2 =	vor.u32 $0x20, v5;
	v3 =	vor.u32 $0x30, v5;
	s6 =	sadd.s32 s8, s6;
	s30 =	sshrl.u32 s7, $0x1;
	s8 =	simm.s32 $0x80  }
0xc: {  	v4 =	vor.u32 $0x40, v5;
	v6 =	vor.u32 $0x50, v5;
	v7 =	vor.u32 $0x60, v5;
	s10 =	sshll.u32 s9, $0x4;
	s7 =	ssub.s32 s7, s30;
	s15 =	sshll.u32 s9, $0xA  }
0xd: {  	v8 =	vor.u32 $0x70, v5;
	s9 =	simm.s32 $0x1;
	s31 =	sand.u32 $0x180, s10;
	s4 =	sadd.s32 s4, s10;
	v0 =	vor.u32 s15, v5;
	v1 =	vor.u32 s15, v1  }
0xe: {  	s5 =	sadd.s32 s5, s10;
	s7 =	smax.u32 s7, $0x1;
	v2 =	vor.u32 s15, v2;
	v3 =	vor.u32 s15, v3;
	v4 =	vor.u32 s15, v4;
	s6 =	sadd.s32 s31, s6  }
0xf: {  	s10 =	simm.s32 $0x40;
	v5 =	vor.u32 s15, v6;
	v6 =	vor.u32 s15, v7;
	v7 =	vor.u32 s15, v8;
	s15 =	simm.s32 $0x2;
	s6 =	sadd.s32 $0x400, s6  }
.LBB2_1:
0x10: {  	[tilespmem:s3], [sflag:$0x1] =	stream.linear.gather [hbm4b:s4+s3], $0x80, $0x38;
	[tilespmem:$0x380] =	vst v63  }
0x11: {  	_ = 	snop  }
0x12: {  	[tilespmem:s8], [sflag:$0x1] =	stream.linear.gather [hbm4b:s5+s3], $0x80, $0x38;
	[tilespmem:$0x380] =	vst v63  }
0x13: {  	_ =	swait.ge [sflag:s9], $0x80  }
0x14: {  	[sflag:s9] =	ssyncset.done $0x0  }
0x15: {  	[sflag:s9] =	ssyncadd.s32 $0xFFFFFF80  }
0x16: {  	v8 =	vld [tilespmem:$0x0]  }
0x17: {  	v9 =	vld [tilespmem:$0x10]  }
0x18: {  	v11 =	vld [tilespmem:$0x20]  }
0x19: {  	v14 =	vld [tilespmem:$0x30]  }
0x1a: {  	v15 =	vld [tilespmem:$0x40]  }
0x1b: {  	v22 =	vld [tilespmem:$0x50];
	_ =	sdelay $0x2  }
0x1c: {  	v10 =	vshra.s32 v8, $0x1F  }
0x1d: {  	v12 =	vshra.s32 v9, $0x1F;
	v17 =	vshra.s32 v11, $0x1F;
	v20 =	vshra.s32 v14, $0x1F  }
0x1e: {  	v16 =	vshra.s32 v15, $0x1F;
	v26 =	vshra.s32 v22, $0x1F;
	v10 =	vshrl.u32 v10, $0x1D  }
0x1f: {  	v12 =	vshrl.u32 v12, $0x1D;
	v16 =	vshrl.u32 v16, $0x1D;
	v10 =	vadd.s32 v10, v8  }
0x20: {  	v8 =	vshll.u32 v8, $0x7;
	v12 =	vadd.s32 v12, v9;
	v9 =	vshll.u32 v9, $0x7  }
0x21: {  	v16 =	vadd.s32 v16, v15;
	v15 =	vshll.u32 v15, $0x7;
	v10 =	vshra.s32 v10, $0x3  }
0x22: {  	v12 =	vshra.s32 v12, $0x3;
	v24 =	vshra.s32 v16, $0x3;
	v16 =	vshrl.u32 v26, $0x1D  }
0x23: {  	v13 =	vshll.u32 v10, $0xF;
	v10 =	vshll.u32 v10, $0xA;
	v63 =	vshll.u32 v12, $0xF  }
0x24: {  	v12 =	vshll.u32 v12, $0xA;
	v25 =	vshll.u32 v24, $0xF;
	v27 =	vadd.s32 v16, v22  }
0x25: {  	v8 =	vsub.s32 v8, v10;
	v62 =	vor.u32 v13, v0;
	v13 =	vshrl.u32 v17, $0x1D  }
0x26: {  	v9 =	vsub.s32 v9, v12;
	v10 =	vor.u32 v63, v1;
	v12 =	vshrl.u32 v20, $0x1D  }
0x27: {  	v28 =	vshra.s32 v27, $0x3;
	v8 =	vadd.s32 v8, v62;
	v18 =	vadd.s32 v13, v11  }
0x28: {  	v9 =	vadd.s32 v9, v10;
	v11 =	vshll.u32 v11, $0x7;
	v12 =	vadd.s32 v12, v14  }
0x29: {  	v17 =	vld [tilespmem:$0x60];
	v14 =	vshll.u32 v14, $0x7;
	v30 =	vshll.u32 v28, $0xA;
	v13 =	vshll.u32 v22, $0x7  }
0x2a: {  	v19 =	vshra.s32 v18, $0x3;
	v12 =	vshra.s32 v12, $0x3;
	v13 =	vsub.s32 v13, v30  }
0x2b: {  	v21 =	vshll.u32 v19, $0xA;
	v10 =	vshll.u32 v19, $0xF;
	v23 =	vshll.u32 v12, $0xF  }
0x2c: {  	v18 =	vld [tilespmem:$0x70];
	v12 =	vshll.u32 v12, $0xA;
	v11 =	vsub.s32 v11, v21;
	v10 =	vor.u32 v10, v2  }
0x2d: {  	v12 =	vsub.s32 v14, v12;
	v14 =	vshll.u32 v24, $0xA;
	v10 =	vadd.s32 v11, v10  }
0x2e: {  	v11 =	vor.u32 v23, v3;
	v14 =	vsub.s32 v15, v14;
	v29 =	vshra.s32 v17, $0x1F  }
0x2f: {  	v36 =	vshll.u32 v17, $0x7;
	v11 =	vadd.s32 v12, v11;
	v12 =	vor.u32 v25, v4  }
0x30: {  	v15 =	vshrl.u32 v29, $0x1D;
	v12 =	vadd.s32 v14, v12;
	v14 =	vshll.u32 v28, $0xF  }
0x31: {  	[tilespmem:$0x100] =	vst v8;
	v15 =	vadd.s32 v15, v17;
	v32 =	vshra.s32 v18, $0x1F;
	v39 =	vshll.u32 v18, $0x7  }
0x32: {  	[tilespmem:$0x110] =	vst v9;
	v8 =	vor.u32 v14, v5;
	v31 =	vshra.s32 v15, $0x3;
	v34 =	vshrl.u32 v32, $0x1D  }
0x33: {  	[tilespmem:$0x120] =	vst v10;
	v8 =	vadd.s32 v13, v8;
	v35 =	vshll.u32 v31, $0xA;
	v13 =	vadd.s32 v34, v18  }
0x34: {  	[tilespmem:$0x130] =	vst v11;
	v33 =	vshll.u32 v31, $0xF;
	v10 =	vsub.s32 v36, v35;
	v37 =	vshra.s32 v13, $0x3  }
0x35: {  	[tilespmem:$0x180] =	vst v12;
	v9 =	vor.u32 v33, v6;
	v38 =	vshll.u32 v37, $0xF;
	v11 =	vshll.u32 v37, $0xA  }
0x36: {  	[tilespmem:$0x190] =	vst v8;
	v8 =	vadd.s32 v10, v9;
	v40 =	vsub.s32 v39, v11;
	v41 =	vor.u32 v38, v7  }
0x37: {  	[tilespmem:$0x1A0] =	vst v8;
	v8 =	vadd.s32 v40, v41  }
0x38: {  	[tilespmem:$0x1B0] =	vst v8  }
0x39: {  	[tilespmem:s12], [sflag:$0x2] =	stream.indirect.gather [hbm4b:s1+s10], $0x1, s11, s10, $0xb8;
	[tilespmem:$0x380] =	vst v63  }
0x3a: {  	_ = 	snop  }
0x3b: {  	[tilespmem:s14], [sflag:$0x2] =	stream.indirect.gather [hbm4b:s1+s10], $0x1, s13, s10, $0xb8;
	[tilespmem:$0x380] =	vst v63  }
0x3c: {  	_ =	swait.ge [sflag:s9], $0x80  }
0x3d: {  	[sflag:s9] =	ssyncset.done $0x0  }
0x3e: {  	[sflag:s9] =	ssyncadd.s32 $0xFFFFFF80  }
0x3f: {  	_ =	swait.ge [sflag:s15], $0x40  }
0x40: {  	[sflag:s15] =	ssyncset.done $0x0  }
0x41: {  	[sflag:s15] =	ssyncadd.s32 $0xFFFFFFC0  }
0x42: {  	v8 =	vld [tilespmem:$0x200]  }
0x43: {  	v42 =	vld [tilespmem:$0x80]  }
0x44: {  	v43 =	vld [tilespmem:$0x210]  }
0x45: {  	v44 =	vld [tilespmem:$0x90]  }
0x46: {  	v45 =	vld [tilespmem:$0x220]  }
0x47: {  	v46 =	vld [tilespmem:$0xA0]  }
0x48: {  	v47 =	vld [tilespmem:$0x230]  }
0x49: {  	v48 =	vld [tilespmem:$0xB0];
	_ =	swait.ge [sflag:s15], $0x40  }
0x4a: {  	[sflag:s15] =	ssyncset.done $0x0;
	v8 =	vmul.f32 v42, v8  }
0x4b: {  	[sflag:s15] =	ssyncadd.s32 $0xFFFFFFC0  }
0x4c: {  	v50 =	vld [tilespmem:$0x280];
	v49 =	vmul.f32 v44, v43;
	v8 =	vsub.f32 $0.0e+00, v8  }
0x4d: {  	v51 =	vld [tilespmem:$0xC0]  }
0x4e: {  	v53 =	vld [tilespmem:$0x290];
	v52 =	vmul.f32 v46, v45;
	v8 =	vsub.f32 v8, v49  }
0x4f: {  	v54 =	vld [tilespmem:$0xD0]  }
0x50: {  	v56 =	vld [tilespmem:$0x2A0];
	v55 =	vmul.f32 v48, v47;
	v8 =	vsub.f32 v8, v52  }
0x51: {  	v57 =	vld [tilespmem:$0xE0]  }
0x52: {  	v59 =	vld [tilespmem:$0x2B0];
	v58 =	vmul.f32 v51, v50;
	v8 =	vsub.f32 v8, v55  }
0x53: {  	v60 =	vld [tilespmem:$0xF0]  }
0x54: {  	v61 =	vmul.f32 v54, v53;
	v8 =	vsub.f32 v8, v58;
	_ =	sdelay $0x1  }
0x55: {  	v62 =	vmul.f32 v57, v56;
	v8 =	vsub.f32 v8, v61;
	_ =	sdelay $0x1  }
0x56: {  	v63 =	vmul.f32 v60, v59;
	v8 =	vsub.f32 v8, v62;
	_ =	sdelay $0x1  }
0x57: {  	v8 =	vsub.f32 v8, v63  }
0x58: {  	p0 =	sne.s32 s7, $0x1  }
.Ltmp0:
0x59: {  	[tilespmem:$0x300] =	vst v8;
	(pc) =	sbr.rel @p0 .LBB2_1-.Ltmp0, $4  }
0x5a: {  	[hbm4b:s6+s3] =	stream.linear.scatter [tilespmem:s16], [sflag:$0x3], $0x80, $0x38;
	[tilespmem:$0x380] =	vst v63  }
0x5b: {  	_ =	swait.ge [sflag:s17], $0x80  }
0x5c: {  	[sflag:s17] =	ssyncset.done $0x0  }
0x5d: {  	s7 =	sadd.s32 $0xFFFFFFFF, s7;
	[sflag:s17] =	ssyncadd.s32 $0xFFFFFF80  }
0x5e: {  	_ =	sfence.sel $0x180000  }
0x5f: {  	[bflag:$0x0] =	sbarrier.arrive $0xFFFF  }
0x60: {  	p0 =	sne.s32 s2, $0x0;
	_ =	strace $0x90000047  }
0x61: {  	s0 =	sadd.s32 @!p0 $0x100000, s0;
	[bflag:$0x2] =	sbarrier.arrive $0xFFFF  }
0x62: {  	[sflag:s0] =	ssyncadd.tile.s32 @!p0 $0x1;
	_ =	shalt  }
.Lfunc_end2:
_tile_overlayer_lowered:
.L_overlay_start_2:
0x63: {  	(tag) =	ssettag $0x2  }
0x64: {  	s0 =	rddreg [dreg:$0x0];
	s2 =	stileid.u32  }
0x65: {  	s1 =	rddreg [dreg:$0x1];
	p0 =	sne.s32 s2, $0x0  }
0x66: {  	s3 =	rddreg [dreg:$0x2];
	[bflag:$0x3] =	sbarrier.arrive $0xFFFF;
	s2 =	simm.s32 @!p0 $0x1C03  }
0x67: {  	[timem:s3], [sflag:s2] =	dma.local @!p0 [hbm:s0], s1  }
0x68: {  	s0 =	simm.s32 @!p0 $0x3  }
0x69: {  	_ =	swait.ge @!p0 [sflag:s0], s1  }
0x6a: {  	s1 =	ssub.s32 @!p0 $0x0, s1;
	[sflag:s0] =	ssyncset.done @!p0 $0x0  }
0x6b: {  	[sflag:s0] =	ssyncadd.s32 @!p0 s1  }
0x6c: {  	[bflag:$0x3] =	sbarrier.arrive $0xFFFF  }
0x6d: {  	_ =	shalt  }

</sc_bundles>
